<compile_context>
chip_gen: v7x
topology: tpu7x:2x2x1
jax: 0.10.2.dev20260603
libtpu: 0.0.44.dev20260713+nightly
codegen_flags: <defaults>
</compile_context>

<pallas_src>
import functools

import jax
import jax.numpy as jnp
from jax import lax
from jax.experimental import pallas as pl
from jax.experimental.pallas import tpu as pltpu
from jax.experimental.pallas import tpu_sc as plsc

_VOCAB = 100000
_D = 64
_B = 4096
_L = 50
_NC, _NS = 2, 16
_NW = _NC * _NS
_BPW = _B // _NW
_NVR = _D // 16

_mesh = plsc.VectorSubcoreMesh(core_axis_name="c", subcore_axis_name="s")


@functools.partial(
    pl.kernel,
    mesh=_mesh,
    out_type=jax.ShapeDtypeStruct((_B, _D), jnp.float32),
    compiler_params=pltpu.CompilerParams(use_tc_tiling_on_sc=False),
    scratch_types=[
        pltpu.VMEM((_BPW, _L), jnp.int32),
        pltpu.VMEM((_L, _D), jnp.float32),
        pltpu.VMEM((_L, _D), jnp.float32),
        pltpu.VMEM((_BPW, _D), jnp.float32),
        pltpu.SemaphoreType.DMA,
        pltpu.SemaphoreType.DMA,
    ],
)
def _pooled_lookup(x_hbm, emb_hbm, out_hbm, idx_v, rows0, rows1, out_v,
                   sem0, sem1):
    wid = lax.axis_index("s") * _NC + lax.axis_index("c")
    pltpu.sync_copy(x_hbm.at[pl.ds(wid * _BPW, _BPW)], idx_v)
    bufs = ((rows0, sem0), (rows1, sem1))

    def gather(c, buf, sem):
        return pltpu.make_async_copy(emb_hbm.at[idx_v.at[c]], buf, sem)

    gather(0, rows0, sem0).start()

    def outer(i, carry):
        c0 = i * 2
        for b in range(2):
            c = c0 + b
            nbuf, nsem = bufs[(b + 1) % 2]

            @pl.when(c + 1 < _BPW)
            def _():
                gather(c + 1, nbuf, nsem).start()

            buf, sem = bufs[b]
            gather(c, buf, sem).wait()

            def red(l, accs):
                return tuple(accs[j] + buf[l, pl.ds(j * 16, 16)]
                             for j in range(_NVR))

            accs = lax.fori_loop(
                0, _L, red,
                tuple(jnp.zeros((16,), jnp.float32) for _ in range(_NVR)),
                unroll=5)
            for j in range(_NVR):
                out_v[c, pl.ds(j * 16, 16)] = accs[j] * (1.0 / _L)
        return carry

    lax.fori_loop(0, _BPW // 2, outer, 0)
    pltpu.sync_copy(out_v, out_hbm.at[pl.ds(wid * _BPW, _BPW)])


def kernel(x, embeddings):
    return _pooled_lookup(x, embeddings)

# --- scband reference (transcript-rebuilt; emitter-appended) ---
"""Pipeline reference for scband-gruembedding-60163901882919 (READ-ONLY COPY).

The authoritative reference and input builder live on the scoring server;
editing this copy changes nothing except your own understanding.
"""

import jax, jax.numpy as jnp
import numpy as np

VOCAB = 100000
EMBED_DIM = 64
BATCH = 4096
HIST = 50

def setup_inputs(seed: int = 0) -> dict:
    key = jax.random.key(seed)
    k1, k2 = jax.random.split(key)
    x = jax.random.randint(k1, (BATCH, HIST), 0, VOCAB, dtype=jnp.int64 if jax.config.jax_enable_x64 else jnp.int32)
    # Keras 'uniform' initializer: uniform in [-0.05, 0.05]
    embeddings = jax.random.uniform(k2, (VOCAB, EMBED_DIM), dtype=jnp.float32, minval=-0.05, maxval=0.05)
    return {"x": x, "embeddings": embeddings}

def reference(x, embeddings):
    # K.gather(embeddings, x) -> embeddings[x] : [B, L, D]
    emb = jnp.take(embeddings, x, axis=0)
    # tf.reduce_mean(embedding, 1) -> mean over sequence axis
    out = jnp.mean(emb, axis=1)
    return out

if __name__ == "__main__":
    import jax
    _d = setup_inputs()
    print(jax.jit(kernel)(*tuple(_d.values())))

</pallas_src>

<mosaic_0001>
#map = affine_map<(d0, d1) -> (0, 0)>
module attributes {stable_mosaic.version = 14 : i64} {
  func.func @_pooled_lookup(%arg0: i32, %arg1: i32, %arg2: memref<4096x50xi32, #tpu.memory_space<hbm>>, %arg3: memref<100000x64xf32, #tpu.memory_space<hbm>>, %arg4: memref<4096x64xf32, #tpu.memory_space<hbm>>, %arg5: memref<128x50xi32, #tpu.memory_space<vmem>>, %arg6: memref<50x64xf32, #tpu.memory_space<vmem>>, %arg7: memref<50x64xf32, #tpu.memory_space<vmem>>, %arg8: memref<128x64xf32, #tpu.memory_space<vmem>>, %arg9: memref<!tpu.dma_semaphore, #tpu.memory_space<semaphore_mem>>, %arg10: memref<!tpu.dma_semaphore, #tpu.memory_space<semaphore_mem>>) attributes {dimension_semantics = [#tpu.dimension_semantics<core_parallel>, #tpu.dimension_semantics<subcore_parallel>], iteration_bounds = array<i64: 2, 16>, scalar_prefetch = 0 : i64, scratch_operands = 6 : i64, tpu.core_type = #tpu.core_type<sc_vector_subcore>, window_params = [{transform_indices = #map}, {transform_indices = #map}, {transform_indices = #map}]} {
    %mul3A = arith.constant 2 : i32
    %mul3A_0 = arith.muli %arg1, %mul3A : i32
    %add3A = arith.addi %mul3A_0, %arg0 : i32
    %mul3A_1 = arith.constant 128 : i32
    %mul3A_2 = arith.muli %add3A, %mul3A_1 : i32
    "tpu.region"() ({
      %run_scoped3A = tpu.sem_alloc : memref<!tpu.dma_semaphore, #tpu.memory_space<semaphore_mem>>
      %dma_start3A_16 = arith.constant 0 : i32
      %dma_start3A_17 = tpu.memref_slice %arg2[%mul3A_2, %dma_start3A_16] : memref<4096x50xi32, #tpu.memory_space<hbm>> -> memref<128x50xi32, #tpu.memory_space<hbm>>
      %dma_start3A_18 = arith.constant 0 : i32
      %dma_start3A_19 = tpu.memref_slice %arg2[%mul3A_2, %dma_start3A_18] : memref<4096x50xi32, #tpu.memory_space<hbm>> -> memref<128x50xi32, #tpu.memory_space<hbm>>
      tpu.enqueue_dma source(%dma_start3A_19 : memref<128x50xi32, #tpu.memory_space<hbm>>) target(%arg5 : memref<128x50xi32, #tpu.memory_space<vmem>>) target_semaphore(%run_scoped3A : memref<!tpu.dma_semaphore, #tpu.memory_space<semaphore_mem>>)
      %dma_wait3A = arith.constant 0 : i32
      %dma_wait3A_20 = tpu.memref_slice %arg2[%mul3A_2, %dma_wait3A] : memref<4096x50xi32, #tpu.memory_space<hbm>> -> memref<128x50xi32, #tpu.memory_space<hbm>>
      %dma_wait3A_21 = arith.constant 0 : i32
      %dma_wait3A_22 = tpu.memref_slice %arg2[%mul3A_2, %dma_wait3A_21] : memref<4096x50xi32, #tpu.memory_space<hbm>> -> memref<128x50xi32, #tpu.memory_space<hbm>>
      tpu.wait_dma2 semaphore(%run_scoped3A : memref<!tpu.dma_semaphore, #tpu.memory_space<semaphore_mem>>) src(%dma_wait3A_22 : memref<128x50xi32, #tpu.memory_space<hbm>>) dst(%arg5 : memref<128x50xi32, #tpu.memory_space<vmem>>)
      tpu.yield
    }) : () -> ()
    %dma_start3A = arith.constant 0 : i32
    %dma_start3A_3 = arith.constant 0 : i32
    %dma_start3A_4 = tpu.memref_slice %arg5[%dma_start3A, %dma_start3A_3] : memref<128x50xi32, #tpu.memory_space<vmem>> -> memref<1x50xi32, #tpu.memory_space<vmem>>
    %dma_start3A_5 = tpu.memref_squeeze %dma_start3A_4 : memref<1x50xi32, #tpu.memory_space<vmem>> -> memref<50xi32, #tpu.memory_space<vmem>>
    %dma_start3A_6 = arith.constant 0 : i32
    %dma_start3A_7 = arith.constant 0 : i32
    %dma_start3A_8 = tpu.memref_slice %arg3[%dma_start3A_6, %dma_start3A_7] : memref<100000x64xf32, #tpu.memory_space<hbm>> -> memref<100000x64xf32, #tpu.memory_space<hbm>>
    tpu.enqueue_indirect_dma source(%dma_start3A_8 : memref<100000x64xf32, #tpu.memory_space<hbm>>) target(%arg6 : memref<50x64xf32, #tpu.memory_space<vmem>>) offsets(%dma_start3A_5 : memref<50xi32, #tpu.memory_space<vmem>>) semaphore(%arg9 : memref<!tpu.dma_semaphore, #tpu.memory_space<semaphore_mem>>)
    %scan3A = arith.constant 0 : i32
    %scan3A_9 = arith.constant 0 : i32
    %scan3A_10 = arith.constant 64 : i32
    %scan3A_11 = arith.addi %scan3A_9, %scan3A_10 : i32
    %scan3A_12 = arith.constant 1 : i32
    scf.for %scan3A_16 = %scan3A_9 to %scan3A_11 step %scan3A_12  : i32 {
      %mul3A_17 = arith.constant 2 : i32
      %mul3A_18 = arith.muli %scan3A_16, %mul3A_17 : i32
      %add3A_19 = arith.constant 0 : i32
      %add3A_20 = arith.addi %mul3A_18, %add3A_19 : i32
      %add3A_21 = arith.constant 1 : i32
      %add3A_22 = arith.addi %add3A_20, %add3A_21 : i32
      %lt3A = arith.constant 128 : i32
      %lt3A_23 = arith.cmpi slt, %add3A_22, %lt3A : i32
      %convert_element_type3A = arith.extui %lt3A_23 : i1 to i32
      %cond3A = arith.constant 0 : i32
      %cond3A_24 = arith.cmpi ne, %convert_element_type3A, %cond3A : i32
      scf.if %cond3A_24 {
        %add3A_135 = arith.constant 1 : i32
        %add3A_136 = arith.addi %add3A_20, %add3A_135 : i32
        %dma_start3A_137 = arith.constant 0 : i32
        %dma_start3A_138 = tpu.memref_slice %arg5[%add3A_136, %dma_start3A_137] : memref<128x50xi32, #tpu.memory_space<vmem>> -> memref<1x50xi32, #tpu.memory_space<vmem>>
        %dma_start3A_139 = tpu.memref_squeeze %dma_start3A_138 : memref<1x50xi32, #tpu.memory_space<vmem>> -> memref<50xi32, #tpu.memory_space<vmem>>
        %dma_start3A_140 = arith.constant 0 : i32
        %dma_start3A_141 = arith.constant 0 : i32
        %dma_start3A_142 = tpu.memref_slice %arg3[%dma_start3A_140, %dma_start3A_141] : memref<100000x64xf32, #tpu.memory_space<hbm>> -> memref<100000x64xf32, #tpu.memory_space<hbm>>
        tpu.enqueue_indirect_dma source(%dma_start3A_142 : memref<100000x64xf32, #tpu.memory_space<hbm>>) target(%arg7 : memref<50x64xf32, #tpu.memory_space<vmem>>) offsets(%dma_start3A_139 : memref<50xi32, #tpu.memory_space<vmem>>) semaphore(%arg10 : memref<!tpu.dma_semaphore, #tpu.memory_space<semaphore_mem>>)
      } else {
      }
      %dma_wait3A = arith.constant 0 : i32
      %dma_wait3A_25 = tpu.memref_slice %arg5[%add3A_20, %dma_wait3A] : memref<128x50xi32, #tpu.memory_space<vmem>> -> memref<1x50xi32, #tpu.memory_space<vmem>>
      %dma_wait3A_26 = tpu.memref_squeeze %dma_wait3A_25 : memref<1x50xi32, #tpu.memory_space<vmem>> -> memref<50xi32, #tpu.memory_space<vmem>>
      %dma_wait3A_27 = arith.constant 0 : i32
      %dma_wait3A_28 = arith.constant 0 : i32
      %dma_wait3A_29 = tpu.memref_slice %arg3[%dma_wait3A_27, %dma_wait3A_28] : memref<100000x64xf32, #tpu.memory_space<hbm>> -> memref<100000x64xf32, #tpu.memory_space<hbm>>
      tpu.wait_indirect_dma semaphore(%arg9 : memref<!tpu.dma_semaphore, #tpu.memory_space<semaphore_mem>>) src(%dma_wait3A_29 : memref<100000x64xf32, #tpu.memory_space<hbm>>) dst(%arg6 : memref<50x64xf32, #tpu.memory_space<vmem>>)
      %broadcast_in_dim3A = arith.constant 0.000000e+00 : f32
      %broadcast_in_dim3A_30 = vector.broadcast %broadcast_in_dim3A : f32 to vector<16xf32>
      %broadcast_in_dim3A_31 = arith.constant 0.000000e+00 : f32
      %broadcast_in_dim3A_32 = vector.broadcast %broadcast_in_dim3A_31 : f32 to vector<16xf32>
      %broadcast_in_dim3A_33 = arith.constant 0.000000e+00 : f32
      %broadcast_in_dim3A_34 = vector.broadcast %broadcast_in_dim3A_33 : f32 to vector<16xf32>
      %broadcast_in_dim3A_35 = arith.constant 0.000000e+00 : f32
      %broadcast_in_dim3A_36 = vector.broadcast %broadcast_in_dim3A_35 : f32 to vector<16xf32>
      %scan3A_37 = arith.constant 0 : i32
      %scan3A_38 = arith.constant 50 : i32
      %scan3A_39 = arith.addi %scan3A_37, %scan3A_38 : i32
      %scan3A_40 = arith.constant 5 : i32
      %scan3A_41:4 = scf.for %scan3A_135 = %scan3A_37 to %scan3A_39 step %scan3A_40 iter_args(%scan3A_136 = %broadcast_in_dim3A_30, %scan3A_137 = %broadcast_in_dim3A_32, %scan3A_138 = %broadcast_in_dim3A_34, %scan3A_139 = %broadcast_in_dim3A_36) -> (vector<16xf32>, vector<16xf32>, vector<16xf32>, vector<16xf32>)  : i32 {
        %get3A = arith.index_cast %scan3A_135 : i32 to index
        %get3A_140 = arith.constant 0 : index
        %get3A_141 = tpu.vector_load %arg6[%get3A, %get3A_140] {strides = array<i32>} : memref<50x64xf32, #tpu.memory_space<vmem>>, vector<1x16xf32>,
        %get3A_142 = vector.shape_cast %get3A_141 : vector<1x16xf32> to vector<16xf32>
        %add3A_143 = arith.addf %scan3A_136, %get3A_142 : vector<16xf32>
        %get3A_144 = arith.index_cast %scan3A_135 : i32 to index
        %get3A_145 = arith.constant 16 : index
        %get3A_146 = tpu.vector_load %arg6[%get3A_144, %get3A_145] {strides = array<i32>} : memref<50x64xf32, #tpu.memory_space<vmem>>, vector<1x16xf32>,
        %get3A_147 = vector.shape_cast %get3A_146 : vector<1x16xf32> to vector<16xf32>
        %add3A_148 = arith.addf %scan3A_137, %get3A_147 : vector<16xf32>
        %get3A_149 = arith.index_cast %scan3A_135 : i32 to index
        %get3A_150 = arith.constant 32 : index
        %get3A_151 = tpu.vector_load %arg6[%get3A_149, %get3A_150] {strides = array<i32>} : memref<50x64xf32, #tpu.memory_space<vmem>>, vector<1x16xf32>,
        %get3A_152 = vector.shape_cast %get3A_151 : vector<1x16xf32> to vector<16xf32>
        %add3A_153 = arith.addf %scan3A_138, %get3A_152 : vector<16xf32>
        %get3A_154 = arith.index_cast %scan3A_135 : i32 to index
        %get3A_155 = arith.constant 48 : index
        %get3A_156 = tpu.vector_load %arg6[%get3A_154, %get3A_155] {strides = array<i32>} : memref<50x64xf32, #tpu.memory_space<vmem>>, vector<1x16xf32>,
        %get3A_157 = vector.shape_cast %get3A_156 : vector<1x16xf32> to vector<16xf32>
        %add3A_158 = arith.addf %scan3A_139, %get3A_157 : vector<16xf32>
        %scan3A_159 = arith.constant 1 : i32
        %scan3A_160 = arith.addi %scan3A_135, %scan3A_159 : i32
        %get3A_161 = arith.index_cast %scan3A_160 : i32 to index
        %get3A_162 = arith.constant 0 : index
        %get3A_163 = tpu.vector_load %arg6[%get3A_161, %get3A_162] {strides = array<i32>} : memref<50x64xf32, #tpu.memory_space<vmem>>, vector<1x16xf32>,
        %get3A_164 = vector.shape_cast %get3A_163 : vector<1x16xf32> to vector<16xf32>
        %add3A_165 = arith.addf %add3A_143, %get3A_164 : vector<16xf32>
        %get3A_166 = arith.index_cast %scan3A_160 : i32 to index
        %get3A_167 = arith.constant 16 : index
        %get3A_168 = tpu.vector_load %arg6[%get3A_166, %get3A_167] {strides = array<i32>} : memref<50x64xf32, #tpu.memory_space<vmem>>, vector<1x16xf32>,
        %get3A_169 = vector.shape_cast %get3A_168 : vector<1x16xf32> to vector<16xf32>
        %add3A_170 = arith.addf %add3A_148, %get3A_169 : vector<16xf32>
        %get3A_171 = arith.index_cast %scan3A_160 : i32 to index
        %get3A_172 = arith.constant 32 : index
        %get3A_173 = tpu.vector_load %arg6[%get3A_171, %get3A_172] {strides = array<i32>} : memref<50x64xf32, #tpu.memory_space<vmem>>, vector<1x16xf32>,
        %get3A_174 = vector.shape_cast %get3A_173 : vector<1x16xf32> to vector<16xf32>
        %add3A_175 = arith.addf %add3A_153, %get3A_174 : vector<16xf32>
        %get3A_176 = arith.index_cast %scan3A_160 : i32 to index
        %get3A_177 = arith.constant 48 : index
        %get3A_178 = tpu.vector_load %arg6[%get3A_176, %get3A_177] {strides = array<i32>} : memref<50x64xf32, #tpu.memory_space<vmem>>, vector<1x16xf32>,
        %get3A_179 = vector.shape_cast %get3A_178 : vector<1x16xf32> to vector<16xf32>
        %add3A_180 = arith.addf %add3A_158, %get3A_179 : vector<16xf32>
        %scan3A_181 = arith.constant 2 : i32
        %scan3A_182 = arith.addi %scan3A_135, %scan3A_181 : i32
        %get3A_183 = arith.index_cast %scan3A_182 : i32 to index
        %get3A_184 = arith.constant 0 : index
        %get3A_185 = tpu.vector_load %arg6[%get3A_183, %get3A_184] {strides = array<i32>} : memref<50x64xf32, #tpu.memory_space<vmem>>, vector<1x16xf32>,
        %get3A_186 = vector.shape_cast %get3A_185 : vector<1x16xf32> to vector<16xf32>
        %add3A_187 = arith.addf %add3A_165, %get3A_186 : vector<16xf32>
        %get3A_188 = arith.index_cast %scan3A_182 : i32 to index
        %get3A_189 = arith.constant 16 : index
        %get3A_190 = tpu.vector_load %arg6[%get3A_188, %get3A_189] {strides = array<i32>} : memref<50x64xf32, #tpu.memory_space<vmem>>, vector<1x16xf32>,
        %get3A_191 = vector.shape_cast %get3A_190 : vector<1x16xf32> to vector<16xf32>
        %add3A_192 = arith.addf %add3A_170, %get3A_191 : vector<16xf32>
        %get3A_193 = arith.index_cast %scan3A_182 : i32 to index
        %get3A_194 = arith.constant 32 : index
        %get3A_195 = tpu.vector_load %arg6[%get3A_193, %get3A_194] {strides = array<i32>} : memref<50x64xf32, #tpu.memory_space<vmem>>, vector<1x16xf32>,
        %get3A_196 = vector.shape_cast %get3A_195 : vector<1x16xf32> to vector<16xf32>
        %add3A_197 = arith.addf %add3A_175, %get3A_196 : vector<16xf32>
        %get3A_198 = arith.index_cast %scan3A_182 : i32 to index
        %get3A_199 = arith.constant 48 : index
        %get3A_200 = tpu.vector_load %arg6[%get3A_198, %get3A_199] {strides = array<i32>} : memref<50x64xf32, #tpu.memory_space<vmem>>, vector<1x16xf32>,
        %get3A_201 = vector.shape_cast %get3A_200 : vector<1x16xf32> to vector<16xf32>
        %add3A_202 = arith.addf %add3A_180, %get3A_201 : vector<16xf32>
        %scan3A_203 = arith.constant 3 : i32
        %scan3A_204 = arith.addi %scan3A_135, %scan3A_203 : i32
        %get3A_205 = arith.index_cast %scan3A_204 : i32 to index
        %get3A_206 = arith.constant 0 : index
        %get3A_207 = tpu.vector_load %arg6[%get3A_205, %get3A_206] {strides = array<i32>} : memref<50x64xf32, #tpu.memory_space<vmem>>, vector<1x16xf32>,
        %get3A_208 = vector.shape_cast %get3A_207 : vector<1x16xf32> to vector<16xf32>
        %add3A_209 = arith.addf %add3A_187, %get3A_208 : vector<16xf32>
        %get3A_210 = arith.index_cast %scan3A_204 : i32 to index
        %get3A_211 = arith.constant 16 : index
        %get3A_212 = tpu.vector_load %arg6[%get3A_210, %get3A_211] {strides = array<i32>} : memref<50x64xf32, #tpu.memory_space<vmem>>, vector<1x16xf32>,
        %get3A_213 = vector.shape_cast %get3A_212 : vector<1x16xf32> to vector<16xf32>
        %add3A_214 = arith.addf %add3A_192, %get3A_213 : vector<16xf32>
        %get3A_215 = arith.index_cast %scan3A_204 : i32 to index
        %get3A_216 = arith.constant 32 : index
        %get3A_217 = tpu.vector_load %arg6[%get3A_215, %get3A_216] {strides = array<i32>} : memref<50x64xf32, #tpu.memory_space<vmem>>, vector<1x16xf32>,
        %get3A_218 = vector.shape_cast %get3A_217 : vector<1x16xf32> to vector<16xf32>
        %add3A_219 = arith.addf %add3A_197, %get3A_218 : vector<16xf32>
        %get3A_220 = arith.index_cast %scan3A_204 : i32 to index
        %get3A_221 = arith.constant 48 : index
        %get3A_222 = tpu.vector_load %arg6[%get3A_220, %get3A_221] {strides = array<i32>} : memref<50x64xf32, #tpu.memory_space<vmem>>, vector<1x16xf32>,
        %get3A_223 = vector.shape_cast %get3A_222 : vector<1x16xf32> to vector<16xf32>
        %add3A_224 = arith.addf %add3A_202, %get3A_223 : vector<16xf32>
        %scan3A_225 = arith.constant 4 : i32
        %scan3A_226 = arith.addi %scan3A_135, %scan3A_225 : i32
        %get3A_227 = arith.index_cast %scan3A_226 : i32 to index
        %get3A_228 = arith.constant 0 : index
        %get3A_229 = tpu.vector_load %arg6[%get3A_227, %get3A_228] {strides = array<i32>} : memref<50x64xf32, #tpu.memory_space<vmem>>, vector<1x16xf32>,
        %get3A_230 = vector.shape_cast %get3A_229 : vector<1x16xf32> to vector<16xf32>
        %add3A_231 = arith.addf %add3A_209, %get3A_230 : vector<16xf32>
        %get3A_232 = arith.index_cast %scan3A_226 : i32 to index
        %get3A_233 = arith.constant 16 : index
        %get3A_234 = tpu.vector_load %arg6[%get3A_232, %get3A_233] {strides = array<i32>} : memref<50x64xf32, #tpu.memory_space<vmem>>, vector<1x16xf32>,
        %get3A_235 = vector.shape_cast %get3A_234 : vector<1x16xf32> to vector<16xf32>
        %add3A_236 = arith.addf %add3A_214, %get3A_235 : vector<16xf32>
        %get3A_237 = arith.index_cast %scan3A_226 : i32 to index
        %get3A_238 = arith.constant 32 : index
        %get3A_239 = tpu.vector_load %arg6[%get3A_237, %get3A_238] {strides = array<i32>} : memref<50x64xf32, #tpu.memory_space<vmem>>, vector<1x16xf32>,
        %get3A_240 = vector.shape_cast %get3A_239 : vector<1x16xf32> to vector<16xf32>
        %add3A_241 = arith.addf %add3A_219, %get3A_240 : vector<16xf32>
        %get3A_242 = arith.index_cast %scan3A_226 : i32 to index
        %get3A_243 = arith.constant 48 : index
        %get3A_244 = tpu.vector_load %arg6[%get3A_242, %get3A_243] {strides = array<i32>} : memref<50x64xf32, #tpu.memory_space<vmem>>, vector<1x16xf32>,
        %get3A_245 = vector.shape_cast %get3A_244 : vector<1x16xf32> to vector<16xf32>
        %add3A_246 = arith.addf %add3A_224, %get3A_245 : vector<16xf32>
        scf.yield %add3A_231, %add3A_236, %add3A_241, %add3A_246 : vector<16xf32>, vector<16xf32>, vector<16xf32>, vector<16xf32>
      }
      %scan3A_42 = arith.constant 50 : i32
      %mul3A_43 = arith.constant 2.000000e-02 : f32
      %mul3A_44 = vector.broadcast %mul3A_43 : f32 to vector<16xf32>
      %mul3A_45 = arith.mulf %scan3A_41#0, %mul3A_44 : vector<16xf32>
      %swap3A = arith.index_cast %add3A_20 : i32 to index
      %swap3A_46 = arith.constant 0 : index
      %swap3A_47 = tpu.vector_load %arg8[%swap3A, %swap3A_46] {strides = array<i32>} : memref<128x64xf32, #tpu.memory_space<vmem>>, vector<1x16xf32>,
      %swap3A_48 = vector.shape_cast %swap3A_47 : vector<1x16xf32> to vector<16xf32>
      %swap3A_49 = vector.shape_cast %mul3A_45 : vector<16xf32> to vector<1x16xf32>
      tpu.vector_store %arg8[%swap3A, %swap3A_46], %swap3A_49 {strides = array<i32>} : memref<128x64xf32, #tpu.memory_space<vmem>>, vector<1x16xf32>,
      %mul3A_50 = arith.constant 2.000000e-02 : f32
      %mul3A_51 = vector.broadcast %mul3A_50 : f32 to vector<16xf32>
      %mul3A_52 = arith.mulf %scan3A_41#1, %mul3A_51 : vector<16xf32>
      %swap3A_53 = arith.index_cast %add3A_20 : i32 to index
      %swap3A_54 = arith.constant 16 : index
      %swap3A_55 = tpu.vector_load %arg8[%swap3A_53, %swap3A_54] {strides = array<i32>} : memref<128x64xf32, #tpu.memory_space<vmem>>, vector<1x16xf32>,
      %swap3A_56 = vector.shape_cast %swap3A_55 : vector<1x16xf32> to vector<16xf32>
      %swap3A_57 = vector.shape_cast %mul3A_52 : vector<16xf32> to vector<1x16xf32>
      tpu.vector_store %arg8[%swap3A_53, %swap3A_54], %swap3A_57 {strides = array<i32>} : memref<128x64xf32, #tpu.memory_space<vmem>>, vector<1x16xf32>,
      %mul3A_58 = arith.constant 2.000000e-02 : f32
      %mul3A_59 = vector.broadcast %mul3A_58 : f32 to vector<16xf32>
      %mul3A_60 = arith.mulf %scan3A_41#2, %mul3A_59 : vector<16xf32>
      %swap3A_61 = arith.index_cast %add3A_20 : i32 to index
      %swap3A_62 = arith.constant 32 : index
      %swap3A_63 = tpu.vector_load %arg8[%swap3A_61, %swap3A_62] {strides = array<i32>} : memref<128x64xf32, #tpu.memory_space<vmem>>, vector<1x16xf32>,
      %swap3A_64 = vector.shape_cast %swap3A_63 : vector<1x16xf32> to vector<16xf32>
      %swap3A_65 = vector.shape_cast %mul3A_60 : vector<16xf32> to vector<1x16xf32>
      tpu.vector_store %arg8[%swap3A_61, %swap3A_62], %swap3A_65 {strides = array<i32>} : memref<128x64xf32, #tpu.memory_space<vmem>>, vector<1x16xf32>,
      %mul3A_66 = arith.constant 2.000000e-02 : f32
      %mul3A_67 = vector.broadcast %mul3A_66 : f32 to vector<16xf32>
      %mul3A_68 = arith.mulf %scan3A_41#3, %mul3A_67 : vector<16xf32>
      %swap3A_69 = arith.index_cast %add3A_20 : i32 to index
      %swap3A_70 = arith.constant 48 : index
      %swap3A_71 = tpu.vector_load %arg8[%swap3A_69, %swap3A_70] {strides = array<i32>} : memref<128x64xf32, #tpu.memory_space<vmem>>, vector<1x16xf32>,
      %swap3A_72 = vector.shape_cast %swap3A_71 : vector<1x16xf32> to vector<16xf32>
      %swap3A_73 = vector.shape_cast %mul3A_68 : vector<16xf32> to vector<1x16xf32>
      tpu.vector_store %arg8[%swap3A_69, %swap3A_70], %swap3A_73 {strides = array<i32>} : memref<128x64xf32, #tpu.memory_space<vmem>>, vector<1x16xf32>,
      %add3A_74 = arith.constant 1 : i32
      %add3A_75 = arith.addi %mul3A_18, %add3A_74 : i32
      %add3A_76 = arith.constant 1 : i32
      %add3A_77 = arith.addi %add3A_75, %add3A_76 : i32
      %lt3A_78 = arith.constant 128 : i32
      %lt3A_79 = arith.cmpi slt, %add3A_77, %lt3A_78 : i32
      %convert_element_type3A_80 = arith.extui %lt3A_79 : i1 to i32
      %cond3A_81 = arith.constant 0 : i32
      %cond3A_82 = arith.cmpi ne, %convert_element_type3A_80, %cond3A_81 : i32
      scf.if %cond3A_82 {
        %add3A_135 = arith.constant 1 : i32
        %add3A_136 = arith.addi %add3A_75, %add3A_135 : i32
        %dma_start3A_137 = arith.constant 0 : i32
        %dma_start3A_138 = tpu.memref_slice %arg5[%add3A_136, %dma_start3A_137] : memref<128x50xi32, #tpu.memory_space<vmem>> -> memref<1x50xi32, #tpu.memory_space<vmem>>
        %dma_start3A_139 = tpu.memref_squeeze %dma_start3A_138 : memref<1x50xi32, #tpu.memory_space<vmem>> -> memref<50xi32, #tpu.memory_space<vmem>>
        %dma_start3A_140 = arith.constant 0 : i32
        %dma_start3A_141 = arith.constant 0 : i32
        %dma_start3A_142 = tpu.memref_slice %arg3[%dma_start3A_140, %dma_start3A_141] : memref<100000x64xf32, #tpu.memory_space<hbm>> -> memref<100000x64xf32, #tpu.memory_space<hbm>>
        tpu.enqueue_indirect_dma source(%dma_start3A_142 : memref<100000x64xf32, #tpu.memory_space<hbm>>) target(%arg6 : memref<50x64xf32, #tpu.memory_space<vmem>>) offsets(%dma_start3A_139 : memref<50xi32, #tpu.memory_space<vmem>>) semaphore(%arg9 : memref<!tpu.dma_semaphore, #tpu.memory_space<semaphore_mem>>)
      } else {
      }
      %dma_wait3A_83 = arith.constant 0 : i32
      %dma_wait3A_84 = tpu.memref_slice %arg5[%add3A_75, %dma_wait3A_83] : memref<128x50xi32, #tpu.memory_space<vmem>> -> memref<1x50xi32, #tpu.memory_space<vmem>>
      %dma_wait3A_85 = tpu.memref_squeeze %dma_wait3A_84 : memref<1x50xi32, #tpu.memory_space<vmem>> -> memref<50xi32, #tpu.memory_space<vmem>>
      %dma_wait3A_86 = arith.constant 0 : i32
      %dma_wait3A_87 = arith.constant 0 : i32
      %dma_wait3A_88 = tpu.memref_slice %arg3[%dma_wait3A_86, %dma_wait3A_87] : memref<100000x64xf32, #tpu.memory_space<hbm>> -> memref<100000x64xf32, #tpu.memory_space<hbm>>
      tpu.wait_indirect_dma semaphore(%arg10 : memref<!tpu.dma_semaphore, #tpu.memory_space<semaphore_mem>>) src(%dma_wait3A_88 : memref<100000x64xf32, #tpu.memory_space<hbm>>) dst(%arg7 : memref<50x64xf32, #tpu.memory_space<vmem>>)
      %broadcast_in_dim3A_89 = arith.constant 0.000000e+00 : f32
      %broadcast_in_dim3A_90 = vector.broadcast %broadcast_in_dim3A_89 : f32 to vector<16xf32>
      %broadcast_in_dim3A_91 = arith.constant 0.000000e+00 : f32
      %broadcast_in_dim3A_92 = vector.broadcast %broadcast_in_dim3A_91 : f32 to vector<16xf32>
      %broadcast_in_dim3A_93 = arith.constant 0.000000e+00 : f32
      %broadcast_in_dim3A_94 = vector.broadcast %broadcast_in_dim3A_93 : f32 to vector<16xf32>
      %broadcast_in_dim3A_95 = arith.constant 0.000000e+00 : f32
      %broadcast_in_dim3A_96 = vector.broadcast %broadcast_in_dim3A_95 : f32 to vector<16xf32>
      %scan3A_97 = arith.constant 0 : i32
      %scan3A_98 = arith.constant 50 : i32
      %scan3A_99 = arith.addi %scan3A_97, %scan3A_98 : i32
      %scan3A_100 = arith.constant 5 : i32
      %scan3A_101:4 = scf.for %scan3A_135 = %scan3A_97 to %scan3A_99 step %scan3A_100 iter_args(%scan3A_136 = %broadcast_in_dim3A_90, %scan3A_137 = %broadcast_in_dim3A_92, %scan3A_138 = %broadcast_in_dim3A_94, %scan3A_139 = %broadcast_in_dim3A_96) -> (vector<16xf32>, vector<16xf32>, vector<16xf32>, vector<16xf32>)  : i32 {
        %get3A = arith.index_cast %scan3A_135 : i32 to index
        %get3A_140 = arith.constant 0 : index
        %get3A_141 = tpu.vector_load %arg7[%get3A, %get3A_140] {strides = array<i32>} : memref<50x64xf32, #tpu.memory_space<vmem>>, vector<1x16xf32>,
        %get3A_142 = vector.shape_cast %get3A_141 : vector<1x16xf32> to vector<16xf32>
        %add3A_143 = arith.addf %scan3A_136, %get3A_142 : vector<16xf32>
        %get3A_144 = arith.index_cast %scan3A_135 : i32 to index
        %get3A_145 = arith.constant 16 : index
        %get3A_146 = tpu.vector_load %arg7[%get3A_144, %get3A_145] {strides = array<i32>} : memref<50x64xf32, #tpu.memory_space<vmem>>, vector<1x16xf32>,
        %get3A_147 = vector.shape_cast %get3A_146 : vector<1x16xf32> to vector<16xf32>
        %add3A_148 = arith.addf %scan3A_137, %get3A_147 : vector<16xf32>
        %get3A_149 = arith.index_cast %scan3A_135 : i32 to index
        %get3A_150 = arith.constant 32 : index
        %get3A_151 = tpu.vector_load %arg7[%get3A_149, %get3A_150] {strides = array<i32>} : memref<50x64xf32, #tpu.memory_space<vmem>>, vector<1x16xf32>,
        %get3A_152 = vector.shape_cast %get3A_151 : vector<1x16xf32> to vector<16xf32>
        %add3A_153 = arith.addf %scan3A_138, %get3A_152 : vector<16xf32>
        %get3A_154 = arith.index_cast %scan3A_135 : i32 to index
        %get3A_155 = arith.constant 48 : index
        %get3A_156 = tpu.vector_load %arg7[%get3A_154, %get3A_155] {strides = array<i32>} : memref<50x64xf32, #tpu.memory_space<vmem>>, vector<1x16xf32>,
        %get3A_157 = vector.shape_cast %get3A_156 : vector<1x16xf32> to vector<16xf32>
        %add3A_158 = arith.addf %scan3A_139, %get3A_157 : vector<16xf32>
        %scan3A_159 = arith.constant 1 : i32
        %scan3A_160 = arith.addi %scan3A_135, %scan3A_159 : i32
        %get3A_161 = arith.index_cast %scan3A_160 : i32 to index
        %get3A_162 = arith.constant 0 : index
        %get3A_163 = tpu.vector_load %arg7[%get3A_161, %get3A_162] {strides = array<i32>} : memref<50x64xf32, #tpu.memory_space<vmem>>, vector<1x16xf32>,
        %get3A_164 = vector.shape_cast %get3A_163 : vector<1x16xf32> to vector<16xf32>
        %add3A_165 = arith.addf %add3A_143, %get3A_164 : vector<16xf32>
        %get3A_166 = arith.index_cast %scan3A_160 : i32 to index
        %get3A_167 = arith.constant 16 : index
        %get3A_168 = tpu.vector_load %arg7[%get3A_166, %get3A_167] {strides = array<i32>} : memref<50x64xf32, #tpu.memory_space<vmem>>, vector<1x16xf32>,
        %get3A_169 = vector.shape_cast %get3A_168 : vector<1x16xf32> to vector<16xf32>
        %add3A_170 = arith.addf %add3A_148, %get3A_169 : vector<16xf32>
        %get3A_171 = arith.index_cast %scan3A_160 : i32 to index
        %get3A_172 = arith.constant 32 : index
        %get3A_173 = tpu.vector_load %arg7[%get3A_171, %get3A_172] {strides = array<i32>} : memref<50x64xf32, #tpu.memory_space<vmem>>, vector<1x16xf32>,
        %get3A_174 = vector.shape_cast %get3A_173 : vector<1x16xf32> to vector<16xf32>
        %add3A_175 = arith.addf %add3A_153, %get3A_174 : vector<16xf32>
        %get3A_176 = arith.index_cast %scan3A_160 : i32 to index
        %get3A_177 = arith.constant 48 : index
        %get3A_178 = tpu.vector_load %arg7[%get3A_176, %get3A_177] {strides = array<i32>} : memref<50x64xf32, #tpu.memory_space<vmem>>, vector<1x16xf32>,
        %get3A_179 = vector.shape_cast %get3A_178 : vector<1x16xf32> to vector<16xf32>
        %add3A_180 = arith.addf %add3A_158, %get3A_179 : vector<16xf32>
        %scan3A_181 = arith.constant 2 : i32
        %scan3A_182 = arith.addi %scan3A_135, %scan3A_181 : i32
        %get3A_183 = arith.index_cast %scan3A_182 : i32 to index
        %get3A_184 = arith.constant 0 : index
        %get3A_185 = tpu.vector_load %arg7[%get3A_183, %get3A_184] {strides = array<i32>} : memref<50x64xf32, #tpu.memory_space<vmem>>, vector<1x16xf32>,
        %get3A_186 = vector.shape_cast %get3A_185 : vector<1x16xf32> to vector<16xf32>
        %add3A_187 = arith.addf %add3A_165, %get3A_186 : vector<16xf32>
        %get3A_188 = arith.index_cast %scan3A_182 : i32 to index
        %get3A_189 = arith.constant 16 : index
        %get3A_190 = tpu.vector_load %arg7[%get3A_188, %get3A_189] {strides = array<i32>} : memref<50x64xf32, #tpu.memory_space<vmem>>, vector<1x16xf32>,
        %get3A_191 = vector.shape_cast %get3A_190 : vector<1x16xf32> to vector<16xf32>
        %add3A_192 = arith.addf %add3A_170, %get3A_191 : vector<16xf32>
        %get3A_193 = arith.index_cast %scan3A_182 : i32 to index
        %get3A_194 = arith.constant 32 : index
        %get3A_195 = tpu.vector_load %arg7[%get3A_193, %get3A_194] {strides = array<i32>} : memref<50x64xf32, #tpu.memory_space<vmem>>, vector<1x16xf32>,
        %get3A_196 = vector.shape_cast %get3A_195 : vector<1x16xf32> to vector<16xf32>
        %add3A_197 = arith.addf %add3A_175, %get3A_196 : vector<16xf32>
        %get3A_198 = arith.index_cast %scan3A_182 : i32 to index
        %get3A_199 = arith.constant 48 : index
        %get3A_200 = tpu.vector_load %arg7[%get3A_198, %get3A_199] {strides = array<i32>} : memref<50x64xf32, #tpu.memory_space<vmem>>, vector<1x16xf32>,
        %get3A_201 = vector.shape_cast %get3A_200 : vector<1x16xf32> to vector<16xf32>
        %add3A_202 = arith.addf %add3A_180, %get3A_201 : vector<16xf32>
        %scan3A_203 = arith.constant 3 : i32
        %scan3A_204 = arith.addi %scan3A_135, %scan3A_203 : i32
        %get3A_205 = arith.index_cast %scan3A_204 : i32 to index
        %get3A_206 = arith.constant 0 : index
        %get3A_207 = tpu.vector_load %arg7[%get3A_205, %get3A_206] {strides = array<i32>} : memref<50x64xf32, #tpu.memory_space<vmem>>, vector<1x16xf32>,
        %get3A_208 = vector.shape_cast %get3A_207 : vector<1x16xf32> to vector<16xf32>
        %add3A_209 = arith.addf %add3A_187, %get3A_208 : vector<16xf32>
        %get3A_210 = arith.index_cast %scan3A_204 : i32 to index
        %get3A_211 = arith.constant 16 : index
        %get3A_212 = tpu.vector_load %arg7[%get3A_210, %get3A_211] {strides = array<i32>} : memref<50x64xf32, #tpu.memory_space<vmem>>, vector<1x16xf32>,
        %get3A_213 = vector.shape_cast %get3A_212 : vector<1x16xf32> to vector<16xf32>
        %add3A_214 = arith.addf %add3A_192, %get3A_213 : vector<16xf32>
        %get3A_215 = arith.index_cast %scan3A_204 : i32 to index
        %get3A_216 = arith.constant 32 : index
        %get3A_217 = tpu.vector_load %arg7[%get3A_215, %get3A_216] {strides = array<i32>} : memref<50x64xf32, #tpu.memory_space<vmem>>, vector<1x16xf32>,
        %get3A_218 = vector.shape_cast %get3A_217 : vector<1x16xf32> to vector<16xf32>
        %add3A_219 = arith.addf %add3A_197, %get3A_218 : vector<16xf32>
        %get3A_220 = arith.index_cast %scan3A_204 : i32 to index
        %get3A_221 = arith.constant 48 : index
        %get3A_222 = tpu.vector_load %arg7[%get3A_220, %get3A_221] {strides = array<i32>} : memref<50x64xf32, #tpu.memory_space<vmem>>, vector<1x16xf32>,
        %get3A_223 = vector.shape_cast %get3A_222 : vector<1x16xf32> to vector<16xf32>
        %add3A_224 = arith.addf %add3A_202, %get3A_223 : vector<16xf32>
        %scan3A_225 = arith.constant 4 : i32
        %scan3A_226 = arith.addi %scan3A_135, %scan3A_225 : i32
        %get3A_227 = arith.index_cast %scan3A_226 : i32 to index
        %get3A_228 = arith.constant 0 : index
        %get3A_229 = tpu.vector_load %arg7[%get3A_227, %get3A_228] {strides = array<i32>} : memref<50x64xf32, #tpu.memory_space<vmem>>, vector<1x16xf32>,
        %get3A_230 = vector.shape_cast %get3A_229 : vector<1x16xf32> to vector<16xf32>
        %add3A_231 = arith.addf %add3A_209, %get3A_230 : vector<16xf32>
        %get3A_232 = arith.index_cast %scan3A_226 : i32 to index
        %get3A_233 = arith.constant 16 : index
        %get3A_234 = tpu.vector_load %arg7[%get3A_232, %get3A_233] {strides = array<i32>} : memref<50x64xf32, #tpu.memory_space<vmem>>, vector<1x16xf32>,
        %get3A_235 = vector.shape_cast %get3A_234 : vector<1x16xf32> to vector<16xf32>
        %add3A_236 = arith.addf %add3A_214, %get3A_235 : vector<16xf32>
        %get3A_237 = arith.index_cast %scan3A_226 : i32 to index
        %get3A_238 = arith.constant 32 : index
        %get3A_239 = tpu.vector_load %arg7[%get3A_237, %get3A_238] {strides = array<i32>} : memref<50x64xf32, #tpu.memory_space<vmem>>, vector<1x16xf32>,
        %get3A_240 = vector.shape_cast %get3A_239 : vector<1x16xf32> to vector<16xf32>
        %add3A_241 = arith.addf %add3A_219, %get3A_240 : vector<16xf32>
        %get3A_242 = arith.index_cast %scan3A_226 : i32 to index
        %get3A_243 = arith.constant 48 : index
        %get3A_244 = tpu.vector_load %arg7[%get3A_242, %get3A_243] {strides = array<i32>} : memref<50x64xf32, #tpu.memory_space<vmem>>, vector<1x16xf32>,
        %get3A_245 = vector.shape_cast %get3A_244 : vector<1x16xf32> to vector<16xf32>
        %add3A_246 = arith.addf %add3A_224, %get3A_245 : vector<16xf32>
        scf.yield %add3A_231, %add3A_236, %add3A_241, %add3A_246 : vector<16xf32>, vector<16xf32>, vector<16xf32>, vector<16xf32>
      }
      %scan3A_102 = arith.constant 50 : i32
      %mul3A_103 = arith.constant 2.000000e-02 : f32
      %mul3A_104 = vector.broadcast %mul3A_103 : f32 to vector<16xf32>
      %mul3A_105 = arith.mulf %scan3A_101#0, %mul3A_104 : vector<16xf32>
      %swap3A_106 = arith.index_cast %add3A_75 : i32 to index
      %swap3A_107 = arith.constant 0 : index
      %swap3A_108 = tpu.vector_load %arg8[%swap3A_106, %swap3A_107] {strides = array<i32>} : memref<128x64xf32, #tpu.memory_space<vmem>>, vector<1x16xf32>,
      %swap3A_109 = vector.shape_cast %swap3A_108 : vector<1x16xf32> to vector<16xf32>
      %swap3A_110 = vector.shape_cast %mul3A_105 : vector<16xf32> to vector<1x16xf32>
      tpu.vector_store %arg8[%swap3A_106, %swap3A_107], %swap3A_110 {strides = array<i32>} : memref<128x64xf32, #tpu.memory_space<vmem>>, vector<1x16xf32>,
      %mul3A_111 = arith.constant 2.000000e-02 : f32
      %mul3A_112 = vector.broadcast %mul3A_111 : f32 to vector<16xf32>
      %mul3A_113 = arith.mulf %scan3A_101#1, %mul3A_112 : vector<16xf32>
      %swap3A_114 = arith.index_cast %add3A_75 : i32 to index
      %swap3A_115 = arith.constant 16 : index
      %swap3A_116 = tpu.vector_load %arg8[%swap3A_114, %swap3A_115] {strides = array<i32>} : memref<128x64xf32, #tpu.memory_space<vmem>>, vector<1x16xf32>,
      %swap3A_117 = vector.shape_cast %swap3A_116 : vector<1x16xf32> to vector<16xf32>
      %swap3A_118 = vector.shape_cast %mul3A_113 : vector<16xf32> to vector<1x16xf32>
      tpu.vector_store %arg8[%swap3A_114, %swap3A_115], %swap3A_118 {strides = array<i32>} : memref<128x64xf32, #tpu.memory_space<vmem>>, vector<1x16xf32>,
      %mul3A_119 = arith.constant 2.000000e-02 : f32
      %mul3A_120 = vector.broadcast %mul3A_119 : f32 to vector<16xf32>
      %mul3A_121 = arith.mulf %scan3A_101#2, %mul3A_120 : vector<16xf32>
      %swap3A_122 = arith.index_cast %add3A_75 : i32 to index
      %swap3A_123 = arith.constant 32 : index
      %swap3A_124 = tpu.vector_load %arg8[%swap3A_122, %swap3A_123] {strides = array<i32>} : memref<128x64xf32, #tpu.memory_space<vmem>>, vector<1x16xf32>,
      %swap3A_125 = vector.shape_cast %swap3A_124 : vector<1x16xf32> to vector<16xf32>
      %swap3A_126 = vector.shape_cast %mul3A_121 : vector<16xf32> to vector<1x16xf32>
      tpu.vector_store %arg8[%swap3A_122, %swap3A_123], %swap3A_126 {strides = array<i32>} : memref<128x64xf32, #tpu.memory_space<vmem>>, vector<1x16xf32>,
      %mul3A_127 = arith.constant 2.000000e-02 : f32
      %mul3A_128 = vector.broadcast %mul3A_127 : f32 to vector<16xf32>
      %mul3A_129 = arith.mulf %scan3A_101#3, %mul3A_128 : vector<16xf32>
      %swap3A_130 = arith.index_cast %add3A_75 : i32 to index
      %swap3A_131 = arith.constant 48 : index
      %swap3A_132 = tpu.vector_load %arg8[%swap3A_130, %swap3A_131] {strides = array<i32>} : memref<128x64xf32, #tpu.memory_space<vmem>>, vector<1x16xf32>,
      %swap3A_133 = vector.shape_cast %swap3A_132 : vector<1x16xf32> to vector<16xf32>
      %swap3A_134 = vector.shape_cast %mul3A_129 : vector<16xf32> to vector<1x16xf32>
      tpu.vector_store %arg8[%swap3A_130, %swap3A_131], %swap3A_134 {strides = array<i32>} : memref<128x64xf32, #tpu.memory_space<vmem>>, vector<1x16xf32>,
    }
    %scan3A_13 = arith.constant 64 : i32
    %mul3A_14 = arith.constant 128 : i32
    %mul3A_15 = arith.muli %add3A, %mul3A_14 : i32
    "tpu.region"() ({
      %run_scoped3A = tpu.sem_alloc : memref<!tpu.dma_semaphore, #tpu.memory_space<semaphore_mem>>
      %dma_start3A_16 = arith.constant 0 : i32
      %dma_start3A_17 = tpu.memref_slice %arg4[%mul3A_15, %dma_start3A_16] : memref<4096x64xf32, #tpu.memory_space<hbm>> -> memref<128x64xf32, #tpu.memory_space<hbm>>
      %dma_start3A_18 = arith.constant 0 : i32
      %dma_start3A_19 = tpu.memref_slice %arg4[%mul3A_15, %dma_start3A_18] : memref<4096x64xf32, #tpu.memory_space<hbm>> -> memref<128x64xf32, #tpu.memory_space<hbm>>
      tpu.enqueue_dma source(%arg8 : memref<128x64xf32, #tpu.memory_space<vmem>>) target(%dma_start3A_19 : memref<128x64xf32, #tpu.memory_space<hbm>>) target_semaphore(%run_scoped3A : memref<!tpu.dma_semaphore, #tpu.memory_space<semaphore_mem>>)
      %dma_wait3A = arith.constant 0 : i32
      %dma_wait3A_20 = tpu.memref_slice %arg4[%mul3A_15, %dma_wait3A] : memref<4096x64xf32, #tpu.memory_space<hbm>> -> memref<128x64xf32, #tpu.memory_space<hbm>>
      %dma_wait3A_21 = arith.constant 0 : i32
      %dma_wait3A_22 = tpu.memref_slice %arg4[%mul3A_15, %dma_wait3A_21] : memref<4096x64xf32, #tpu.memory_space<hbm>> -> memref<128x64xf32, #tpu.memory_space<hbm>>
      tpu.wait_dma2 semaphore(%run_scoped3A : memref<!tpu.dma_semaphore, #tpu.memory_space<semaphore_mem>>) src(%arg8 : memref<128x64xf32, #tpu.memory_space<vmem>>) dst(%dma_wait3A_22 : memref<128x64xf32, #tpu.memory_space<hbm>>)
      tpu.yield
    }) : () -> ()
    return
  }
}

</mosaic_0001>

<sc_bundles>
// kernel: kernel.3.cloned.1.call-start
scs
__scs_entry_jumppad:
0x0: {  	(pc) =	sbr.rel $0x88, $3  }
0x1: {  	(tag) =	ssettag $0x0;
	lr =	simm.s32 $0x1  }
0x2: {  	[smem:$0x3F9F] =	sst lr;
	_ =	strace $0xD0000000  }
0x3: {  	_ = 	snop  }
0x4: {  	_ = 	snop  }
0x5: {  	_ = 	snop  }
0x6: {  	_ = 	snop  }
0x7: {  	_ = 	snop  }
__scs_overlays_trampoline_lowered:
0x8: {  	[smem:$0x3FAE] =	sst s0  }
0x9: {  	[smem:$0x3FAF] =	sst s1  }
0xa: {  	[smem:$0x3FB0] =	sst s2  }
0xb: {  	[smem:$0x3FB1] =	sst s3  }
0xc: {  	[smem:$0x3FB2] =	sst s4  }
0xd: {  	[smem:$0x3FB3] =	sst s5  }
0xe: {  	[smem:$0x3FB4] =	sst s6  }
0xf: {  	[smem:$0x3FB5] =	sst s7  }
0x10: {  	[smem:$0x3FB6] =	sst s8  }
0x11: {  	[smem:$0x3FB7] =	sst s9;
	s0 =	simm.s32 @!p0 $0x0  }
0x12: {  	s1 =	sld [smem:$0x3F9D];
	s0 =	simm.s32 @p0 $0x1  }
0x13: {  	[smem:$0x3FB8] =	sst s0;
	s0 =	simm.s32 @!p1 $0x0  }
0x14: {  	s2 =	sld [smem:$0x3F9C];
	s0 =	simm.s32 @p1 $0x1  }
0x15: {  	[smem:$0x3FB9] =	sst s0;
	s0 =	simm.s32 @!p2 $0x0  }
0x16: {  	s3 =	sld [smem:$0x3FDB];
	s0 =	simm.s32 @p2 $0x1  }
0x17: {  	s4 =	simm.s32 $0x1BF5;
	[smem:$0x3FBB] =	sst s0  }
0x18: {  	s0 =	sld [smem:$0x3F9E];
	_ =	swait.ge [sflag:s4], $0x0  }
0x19: {  	s7 =	sld [smem:$0x3F9F]  }
0x1a: {  	s8 =	sadd.s32 $0xFFFFE003, lr  }
0x1b: {  	s9 =	sadd.s32 $0xFFFFFEF7, lr;
	s5 =	simm.s32 $0xFFFFFFFF;
	p2 =	slt.u32 s8, $0xFFFFF086  }
0x1c: {  	p1 =	slt.u32 s9, $0xF7A;
	s5 =	simm.s32 @!p2 $0x0  }
0x1d: {  	s5 =	simm.s32 @p1 $0x1;
	p0 =	seq.s32 s7, s2  }
0x1e: {  	s7 =	smul.u32 @!p0 $0xF7A, s2;
	p2 =	seq.s32 @!p0 s5, $0x0  }
0x1f: {  	s9 =	smul.u32 $0xF7A, s1;
	s8 =	simm.s32 @!p0 $0x1BF5;
	p2 =	por !p2, p0  }
0x20: {  	[sflag:s8] =	ssyncset.s32 @!p0 $0xFFFFF086;
	s6 =	sadd.s32 @!p0 s3, s7;
	s7 =	simm.s32 @!p0 $0x108  }
0x21: {  	s3 =	sadd.s32 s3, s9;
	s6 =	sadd.s32 @!p0 $0x88, s6;
	s7 =	simm.s32 @p2 $0x1082  }
0x22: {  	[simem:s7], [sflag:s8] =	dma.local @!p0 [hbm:s6], $0xF7A  }
0x23: {  	s9 =	sor.u32 $0xD0000000, s2;
	s6 =	simm.s32 $0x108;
	_ =	swait.ge @!p0 [sflag:s8], $0x0  }
0x24: {  	s3 =	sadd.s32 $0x88, s3;
	s6 =	simm.s32 @!p1 $0x1082;
	[sflag:s4] =	ssyncset.s32 $0xFFFFF086  }
0x25: {  	[simem:s6], [sflag:s4] =	dma.local [hbm:s3], $0xF7A  }
0x26: {  	[smem:$0x3F9F] =	sst s1;
	(tag) =	ssettag s2;
	_ =	strace s9  }
0x27: {  	s1 =	sld [smem:$0x3FAF]  }
0x28: {  	s2 =	sld [smem:$0x3FB0]  }
0x29: {  	s4 =	sld [smem:$0x3FB2]  }
0x2a: {  	p0 =	seq.s32 s5, $0x0;
	s5 =	sld [smem:$0x3FB3]  }
0x2b: {  	s6 =	sld [smem:$0x3FB4]  }
0x2c: {  	s7 =	sld [smem:$0x3FB5]  }
0x2d: {  	s3 =	simm.s32 $0x108;
	s8 =	sld [smem:$0x3FB6]  }
0x2e: {  	s3 =	simm.s32 @!p0 $0x1082;
	s9 =	sld [smem:$0x3FB7]  }
0x2f: {  	lr =	sadd.s32 s0, s3;
	s0 =	sld [smem:$0x3FAE]  }
0x30: {  	s3 =	sld [smem:$0x3FB1]  }
0x31: {  	[smem:$0x3FBA] =	sst s10  }
0x32: {  	s10 =	sld [smem:$0x3FB8];
	_ =	sdelay $0x3  }
0x33: {  	p0 =	seq.s32 s10, $0x1;
	s10 =	sld [smem:$0x3FBA];
	_ =	sdelay $0x3  }
0x34: {  	[smem:$0x3FBA] =	sst s10  }
0x35: {  	s10 =	sld [smem:$0x3FB9];
	_ =	sdelay $0x3  }
0x36: {  	p1 =	seq.s32 s10, $0x1;
	s10 =	sld [smem:$0x3FBA];
	_ =	sdelay $0x3  }
0x37: {  	[smem:$0x3FBA] =	sst s10  }
0x38: {  	s10 =	sld [smem:$0x3FBB]  }
0x39: {  	_ = 	snop;
	(pc) =	sbr.ind lr, $3  }
0x3a: {  	_ = 	snop  }
0x3b: {  	_ = 	snop  }
0x3c: {  	p2 =	seq.s32 s10, $0x1;
	s10 =	sld [smem:$0x3FBA]  }
0x3d: {  	_ =	shalt  }
0x3e: {  	_ =	shalt  }
0x3f: {  	_ =	shalt  }
0x40: {  	_ =	shalt  }
0x41: {  	_ =	shalt  }
0x42: {  	_ =	shalt  }
0x43: {  	_ =	shalt  }
0x44: {  	_ =	shalt  }
0x45: {  	_ =	shalt  }
0x46: {  	_ =	shalt  }
0x47: {  	_ =	shalt  }
0x48: {  	_ =	shalt  }
0x49: {  	_ =	shalt  }
0x4a: {  	_ =	shalt  }
0x4b: {  	_ =	shalt  }
0x4c: {  	_ =	shalt  }
0x4d: {  	_ =	shalt  }
0x4e: {  	_ =	shalt  }
0x4f: {  	_ =	shalt  }
0x50: {  	_ =	shalt  }
0x51: {  	_ =	shalt  }
0x52: {  	_ =	shalt  }
0x53: {  	_ =	shalt  }
0x54: {  	_ =	shalt  }
0x55: {  	_ =	shalt  }
0x56: {  	_ =	shalt  }
0x57: {  	_ =	shalt  }
0x58: {  	_ =	shalt  }
0x59: {  	_ =	shalt  }
0x5a: {  	_ =	shalt  }
0x5b: {  	_ =	shalt  }
0x5c: {  	_ =	shalt  }
0x5d: {  	_ =	shalt  }
0x5e: {  	_ =	shalt  }
0x5f: {  	_ =	shalt  }
0x60: {  	_ =	shalt  }
0x61: {  	_ =	shalt  }
0x62: {  	_ =	shalt  }
0x63: {  	_ =	shalt  }
0x64: {  	_ =	shalt  }
0x65: {  	_ =	shalt  }
0x66: {  	_ =	shalt  }
0x67: {  	_ =	shalt  }
0x68: {  	_ =	shalt  }
0x69: {  	_ =	shalt  }
0x6a: {  	_ =	shalt  }
0x6b: {  	_ =	shalt  }
0x6c: {  	_ =	shalt  }
0x6d: {  	_ =	shalt  }
0x6e: {  	_ =	shalt  }
0x6f: {  	_ =	shalt  }
0x70: {  	_ =	shalt  }
0x71: {  	_ =	shalt  }
0x72: {  	_ =	shalt  }
0x73: {  	_ =	shalt  }
0x74: {  	_ =	shalt  }
0x75: {  	_ =	shalt  }
0x76: {  	_ =	shalt  }
0x77: {  	_ =	shalt  }
0x78: {  	_ =	shalt  }
0x79: {  	_ =	shalt  }
0x7a: {  	_ =	shalt  }
0x7b: {  	_ =	shalt  }
0x7c: {  	_ =	shalt  }
0x7d: {  	_ =	shalt  }
0x7e: {  	_ =	shalt  }
0x7f: {  	_ =	shalt  }
0x80: {  	_ =	shalt  }
0x81: {  	_ =	shalt  }
0x82: {  	_ =	shalt  }
0x83: {  	_ =	shalt  }
0x84: {  	_ =	shalt  }
0x85: {  	_ =	shalt  }
0x86: {  	_ =	shalt  }
0x87: {  	_ =	shalt  }
.Lfunc_end0:
.L_simem_size_0:
called_computation_lowered:
.L_overlay_start_0:
0x88: {  	s2 =	sld [smem:$0x3FD9]  }
0x89: {  	s3 =	sld [smem:$0x3FFE];
	_ =	sdelay $0x1  }
0x8a: {  	s1 =	srdreg.scid  }
0x8b: {  	s0 =	sand.u32 $0x1, s1  }
0x8c: {  	s17 =	sshll.u32 s0, $0xA;
	s2 =	sadd.s32 s3, s2  }
0x8d: {  	s2 =	sadd.s32 s2, s17  }
0x8e: {  	[smem:$0x3FC6] =	sst s2  }
0x8f: {  	_ = 	snop  }
0x90: {  	s2 =	sld [smem:$0x3FD0];
	(tm) =	ssettm $0x1  }
0x91: {  	s18 =	sld [smem:$0x3FFB];
	_ =	sdelay $0x3  }
0x92: {  	_ =	strace s18  }
0x93: {  	s3 =	sld [smem:$0x3FFC];
	_ =	sdelay $0x3  }
0x94: {  	_ =	strace s3  }
0x95: {  	s3 =	sld [smem:$0x3FFD];
	_ =	sdelay $0x3  }
0x96: {  	_ =	strace s3  }
0x97: {  	_ =	strace $0x8FFFFFFF  }
0x98: {  	s19 =	sld [smem:$0x3FDB];
	_ =	sdelay $0x1  }
0x99: {  	s4 =	simm.s32 $_scs_section_size  }
0x9a: {  	s5 =	simm.s32 $_size__tile_overlayer_lowered;
	s6 =	simm.s32 $_tile_overlayer_lowered  }
0x9b: {  	s22 =	simm.s32 $0x1BFF;
	s21 =	sshll.u32 s6, $0x1;
	s3 =	sadd.s32 s4, s19  }
0x9c: {  	s7 =	simm.s32 $0x0;
	s20 =	sshll.u32 s5, $0x1;
	s5 =	sadd.s32 s21, s3  }
0x9d: {  	[timem:s7], [sflag:s22] =	dma.local [hbm:s5], s20  }
0x9e: {  	_ =	swait.ge [sflag:s22], s20  }
0x9f: {  	s4 =	ssub.s32 $0x0, s20;
	[sflag:s22] =	ssyncset.done $0x0  }
0xa0: {  	[sflag:s22] =	ssyncadd.s32 s4;
	_ =	sdelay $0x1  }
0xa1: {  	s23 =	simm.s32 $0x1B8B  }
0xa2: {  	_ =	swait.ge [sflag:s23], $0x1  }
0xa3: {  	[sflag:s23] =	ssyncset.done $0x0  }
0xa4: {  	s25 =	simm.s32 $0x1B8E;
	s24 =	sld [smem:$0x3FFE];
	[sflag:s23] =	ssyncadd.s32 $0xFFFFFFFF  }
0xa5: {  	s26 =	simm.s32 $execute0_lowered;
	[smem:$0x3FD2] =	sst s25  }
0xa6: {  	s5 =	sshll.u32 s26, $0x1;
	_ =	strace $0x80000046;
	[dreg:$0x1] =	wrdreg $0xFFFFFFFF  }
0xa7: {  	s28 =	simm.s32 $_size_execute0_lowered;
	s3 =	sadd.s32 s3, s5;
	[dreg:$0x0] =	wrdreg $0x0  }
0xa8: {  	s5 =	sshll.u32 s28, $0x1;
	[dreg:$0x2] =	wrdreg s3  }
0xa9: {  	[dreg:$0x3] =	wrdreg s5  }
0xaa: {  	[dreg:$0x4] =	wrdreg $0xC0  }
0xab: {  	_ =	task [dreg:s7], $0x5FFFF  }
0xac: {  	[dreg:$0x1] =	wrdreg $0xFFFFFFFF  }
0xad: {  	[dreg:$0x0] =	wrdreg $0x60  }
0xae: {  	[dreg:$0x2] =	wrdreg s24  }
0xaf: {  	[dreg:$0x3] =	wrdreg s2  }
0xb0: {  	[dreg:$0x4] =	wrdreg $0x9  }
0xb1: {  	_ =	task.clear_ibuf [dreg:s7], $0x5FFFF;
	_ =	strace $0x90000046  }
0xb2: {  	s29 =	simm.s32 $0x9;
	_ =	strace $0x80000048  }
0xb3: {  	_ =	swait.ge [sflag:s29], $0x1  }
0xb4: {  	[sflag:s29] =	ssyncadd.s32 $0xFFFFFFFF  }
0xb5: {  	_ =	strace $0x90000048  }
0xb6: {  	_ =	sfence  }
0xb7: {  	s30 =	sld [smem:$0x0];
	_ =	sdelay $0x2  }
0xb8: {  	s31 =	sshll.u32 s1, $0xD;
	s1 =	sshrl.u32 s1, $0x2  }
0xb9: {  	s3 =	sand.u32 $0x4000, s31;
	s1 =	sadd.s32 s1, s30  }
0xba: {  	s0 =	sor.u32 s3, s0;
	s1 =	sshll.u32 s1, $0x11  }
0xbb: {  	s0 =	sor.u32 s1, s0  }
0xbc: {  	s0 =	sadd.s32 $0x8F2B, s0  }
0xbd: {  	[sflag:s0] =	ssyncadd.remote.s32 $0x1  }
0xbe: {  	_ =	sfence.sel $0xFFFF  }
0xbf: {  	[dreg:$0x0] =	wrdreg $0xFFFFFFFF;
	(pc) =	sbr.abs _section_cstart, $3  }
0xc0: {  	[dreg:$0x1] =	wrdreg $0xFFFFFFFF  }
0xc1: {  	_ =	task.clear_ibuf [dreg:s7], $0x2FFFF;
	_ =	strace $0x9FFFFFFF  }
0xc2: {  	(tm) =	ssettm $0x7FFFFFFF  }
0xc3: {  	_ =	shalt  }
tec
execute0_lowered:
.L_overlay_start_1:
0x0: {  	(tag) =	ssettag $0x1  }
0x1: {  	s1 =	srdreg.scid  }
0x2: {  	s0 =	stileid.u32;
	s4 =	rddreg [dreg:$0x0]  }
0x3: {  	s5 =	rddreg [dreg:$0x1];
	s9 =	simm.s32 $0x1C00;
	s10 =	simm.s32 $0x2880  }
0x4: {  	s11 =	simm.s32 $0x1;
	s12 =	simm.s32 $0x2;
	s13 =	simm.s32 $0x3500  }
0x5: {  	s14 =	simm.s32 $0x0;
	s3 =	sand.u32 $0x1, s1;
	s30 =	sshll.u32 s0, $0x8  }
0x6: {  	s1 =	rddreg [dreg:$0x2];
	s2 =	sshll.u32 s3, $0x7;
	s8 =	ssub.s32 $0x2, s3  }
0x7: {  	s3 =	sadd.s32 $0x187000, s4;
	s6 =	sor.u32 s2, s30;
	s2 =	simm.s32 $0x0  }
0x8: {  	s31 =	sshrl.u32 s8, $0x1;
	s7 =	smul.u32 $0x7, s6;
	[smem:$0x7FF] =	sst s2  }
0x9: {  	s6 =	sshll.u32 s6, $0x3;
	s8 =	ssub.s32 s8, s31;
	_ =	strace $0x80000047  }
0xa: {  	s5 =	sadd.s32 s5, s6;
	s6 =	smax.u32 s8, $0x1;
	s7 =	sadd.s32 s7, s4  }
0xb: {  	s8 =	simm.s32 $0x32;
	s4 =	sadd.s32 $0x600, s7;
	s7 =	simm.s32 $0x3  }
.LBB2_1:
0xc: {  	[tilespmem:s2], [sflag:$0x3] =	stream.linear.gather [hbm4b:s4+s2], $0x1C00, $0x38;
	[tilespmem:$0x5500] =	vst v63  }
0xd: {  	_ =	swait.ge [sflag:s7], $0x1C00  }
0xe: {  	[sflag:s7] =	ssyncset.done $0x0  }
0xf: {  	s15 =	simm.s32 $0x0;
	[sflag:s7] =	ssyncadd.s32 $0xFFFFE400  }
0x10: {  	[tilespmem:s9], [sflag:$0x1] =	stream.indirect.gather [hbm4b:s3+s8], $0x40, s2, s8, $0xb8;
	[tilespmem:$0x5500] =	vst v63  }
.LBB2_2:
0x11: {  	s16 =	sshllo.u32 s15, $0x1  }
0x12: {  	s17 =	smul.u32 $0xE0, s16;
	_ =	sdelay $0x1  }
0x13: {  	s17 =	sshra.s32 s17, $0x2  }
0x14: {  	[tilespmem:s10], [sflag:$0x2] =	stream.indirect.gather [hbm4b:s3+s8], $0x40, s17, s8, $0xb8;
	[tilespmem:$0x5500] =	vst v63  }
0x15: {  	_ =	swait.ge [sflag:s11], $0xC80  }
0x16: {  	[sflag:s11] =	ssyncset.done $0x0  }
0x17: {  	s18 =	simm.s32 $0x1CA0;
	[sflag:s11] =	ssyncadd.s32 $0xFFFFF380  }
0x18: {  	v0 =	vld [tilespmem:s18+$0x60]  }
0x19: {  	v1 =	vld [tilespmem:s18+$0x70]  }
0x1a: {  	v2 =	vld [tilespmem:s18+$0x20]  }
0x1b: {  	v3 =	vld [tilespmem:s18+$0x30]  }
0x1c: {  	v9 =	vld [tilespmem:s18+$0xFFFFFFE0]  }
0x1d: {  	v12 =	vld [tilespmem:s18+$0xFFFFFFF0]  }
0x1e: {  	v7 =	vld [tilespmem:s18+$0xFFFFFFA0]  }
0x1f: {  	v8 =	vld [tilespmem:s18+$0xFFFFFFB0]  }
0x20: {  	v5 =	vld [tilespmem:s18+$0xFFFFFF60]  }
0x21: {  	v6 =	vld [tilespmem:s18+$0xFFFFFF70]  }
0x22: {  	v10 =	vld [tilespmem:s18+$0xFFFFFF80]  }
0x23: {  	v11 =	vld [tilespmem:s18+$0xFFFFFF90]  }
0x24: {  	v13 =	vld [tilespmem:s18+$0xFFFFFFC0]  }
0x25: {  	v14 =	vld [tilespmem:s18+$0xFFFFFFD0]  }
0x26: {  	v15 =	vimm.f32 $0.0e+00;
	v4 =	vld [tilespmem:s18+$0x0]  }
0x27: {  	v16 =	vadd.f32 v5, v15;
	v17 =	vadd.f32 v6, v15;
	v6 =	vld [tilespmem:s18+$0x10]  }
0x28: {  	v10 =	vadd.f32 v10, v15;
	v15 =	vadd.f32 v11, v15;
	v5 =	vld [tilespmem:s18+$0x40]  }
0x29: {  	v16 =	vadd.f32 v7, v16;
	v17 =	vadd.f32 v8, v17;
	v8 =	vld [tilespmem:s18+$0x50]  }
0x2a: {  	v11 =	vadd.f32 v13, v10;
	v10 =	vadd.f32 v14, v15;
	v7 =	vld [tilespmem:s18+$0x80]  }
0x2b: {  	s17 =	simm.s32 $0x0;
	v13 =	vadd.f32 v9, v16;
	v12 =	vadd.f32 v12, v17;
	v9 =	vld [tilespmem:s18+$0x90];
	s18 =	simm.s32 $0x1DE0  }
.LBB2_3:
0x2c: {  	v14 =	vld [tilespmem:s18+$0x60];
	v4 =	vadd.f32 v4, v11;
	v6 =	vadd.f32 v6, v10  }
0x2d: {  	v10 =	vld [tilespmem:s18+$0x70];
	v11 =	vadd.f32 v2, v13;
	v12 =	vadd.f32 v3, v12  }
0x2e: {  	v2 =	vld [tilespmem:s18+$0x20];
	v4 =	vadd.f32 v5, v4;
	v5 =	vadd.f32 v8, v6  }
0x2f: {  	v3 =	vld [tilespmem:s18+$0x30];
	v6 =	vadd.f32 v0, v11;
	v8 =	vadd.f32 v1, v12  }
0x30: {  	v12 =	vld [tilespmem:s18+$0xFFFFFFE0];
	v7 =	vadd.f32 v7, v4;
	v5 =	vadd.f32 v9, v5  }
0x31: {  	v9 =	vld [tilespmem:s18+$0xFFFFFFF0];
	v0 =	vmov v14  }
0x32: {  	v11 =	vld [tilespmem:s18+$0xFFFFFFA0];
	v1 =	vmov v10  }
0x33: {  	v10 =	vld [tilespmem:s18+$0xFFFFFFB0]  }
0x34: {  	v13 =	vld [tilespmem:s18+$0xFFFFFF60]  }
0x35: {  	v14 =	vld [tilespmem:s18+$0xFFFFFF70]  }
0x36: {  	v15 =	vld [tilespmem:s18+$0xFFFFFF80]  }
0x37: {  	s17 =	sadd.s32 $0x5, s17;
	v16 =	vld [tilespmem:s18+$0xFFFFFF90]  }
0x38: {  	p0 =	slt.u32 s17, $0x2D;
	v17 =	vld [tilespmem:s18+$0xFFFFFFC0]  }
0x39: {  	v18 =	vld [tilespmem:s18+$0xFFFFFFD0]  }
0x3a: {  	v4 =	vld [tilespmem:s18+$0x0]  }
.Ltmp0:
0x3b: {  	v13 =	vadd.f32 v13, v6;
	v8 =	vadd.f32 v14, v8;
	v6 =	vld [tilespmem:s18+$0x10];
	(pc) =	sbr.rel @p0 .LBB2_3-.Ltmp0, $4  }
0x3c: {  	v7 =	vadd.f32 v15, v7;
	v14 =	vadd.f32 v16, v5;
	v5 =	vld [tilespmem:s18+$0x40]  }
0x3d: {  	v13 =	vadd.f32 v11, v13;
	v15 =	vadd.f32 v10, v8;
	v8 =	vld [tilespmem:s18+$0x50]  }
0x3e: {  	v11 =	vadd.f32 v17, v7;
	v10 =	vadd.f32 v18, v14;
	v7 =	vld [tilespmem:s18+$0x80]  }
0x3f: {  	v13 =	vadd.f32 v12, v13;
	v12 =	vadd.f32 v9, v15;
	v9 =	vld [tilespmem:s18+$0x90];
	s18 =	sadd.s32 $0x140, s18  }
0x40: {  	_ = 	snop  }
0x41: {  	v4 =	vadd.f32 v4, v11;
	v2 =	vadd.f32 v2, v13  }
0x42: {  	v6 =	vadd.f32 v6, v10;
	v3 =	vadd.f32 v3, v12  }
0x43: {  	v4 =	vadd.f32 v5, v4;
	v0 =	vadd.f32 v0, v2  }
0x44: {  	v2 =	vadd.f32 v8, v6;
	v1 =	vadd.f32 v1, v3  }
0x45: {  	s17 =	sshll.u32 s15, $0x7;
	v3 =	vadd.f32 v7, v4;
	v0 =	vmul.f32 $1.999999960e-02, v0  }
0x46: {  	p0 =	seq.s32 s15, $0x3F;
	s17 =	sand.u32 $0x3FFFFF80, s17;
	v2 =	vadd.f32 v9, v2;
	v1 =	vmul.f32 $1.999999960e-02, v1  }
0x47: {  	s18 =	smul.u32 @!p0 $0x1C0, s15;
	[tilespmem:s17+$0x3500] =	vst v0;
	v0 =	vmul.f32 $1.999999960e-02, v3  }
0x48: {  	[tilespmem:s17+$0x3510] =	vst v1;
	v1 =	vmul.f32 $1.999999960e-02, v2  }
0x49: {  	s18 =	sshra.s32 @!p0 s18, $0x2;
	[tilespmem:s17+$0x3520] =	vst v0  }
0x4a: {  	s19 =	simm.s32 @!p0 $0x1C00;
	[tilespmem:s17+$0x3530] =	vst v1;
	s17 =	sadd.s32 @!p0 $0x70, s18;
	s18 =	simm.s32 @!p0 $0x32  }
0x4b: {  	[tilespmem:s19], [sflag:$0x1] =	stream.indirect.gather @!p0 [hbm4b:s3+s18], $0x40, s17, s18, $0xb8;
	[tilespmem:$0x5500] =	vst v63  }
0x4c: {  	_ =	swait.ge [sflag:s12], $0xC80  }
0x4d: {  	[sflag:s12] =	ssyncset.done $0x0  }
0x4e: {  	s31 =	simm.s32 $0x2920;
	[sflag:s12] =	ssyncadd.s32 $0xFFFFF380  }
0x4f: {  	v0 =	vld [tilespmem:s31+$0x60]  }
0x50: {  	v1 =	vld [tilespmem:s31+$0x70]  }
0x51: {  	v2 =	vld [tilespmem:s31+$0x20]  }
0x52: {  	v3 =	vld [tilespmem:s31+$0x30]  }
0x53: {  	v9 =	vld [tilespmem:s31+$0xFFFFFFE0]  }
0x54: {  	v12 =	vld [tilespmem:s31+$0xFFFFFFF0]  }
0x55: {  	v7 =	vld [tilespmem:s31+$0xFFFFFFA0]  }
0x56: {  	v8 =	vld [tilespmem:s31+$0xFFFFFFB0]  }
0x57: {  	v5 =	vld [tilespmem:s31+$0xFFFFFF60]  }
0x58: {  	v6 =	vld [tilespmem:s31+$0xFFFFFF70]  }
0x59: {  	v10 =	vld [tilespmem:s31+$0xFFFFFF80]  }
0x5a: {  	v11 =	vld [tilespmem:s31+$0xFFFFFF90]  }
0x5b: {  	v13 =	vld [tilespmem:s31+$0xFFFFFFC0]  }
0x5c: {  	v14 =	vld [tilespmem:s31+$0xFFFFFFD0]  }
0x5d: {  	v15 =	vimm.f32 $0.0e+00;
	v4 =	vld [tilespmem:s31+$0x0]  }
0x5e: {  	v16 =	vadd.f32 v5, v15;
	v17 =	vadd.f32 v6, v15;
	v6 =	vld [tilespmem:s31+$0x10]  }
0x5f: {  	v10 =	vadd.f32 v10, v15;
	v15 =	vadd.f32 v11, v15;
	v5 =	vld [tilespmem:s31+$0x40]  }
0x60: {  	v16 =	vadd.f32 v7, v16;
	v17 =	vadd.f32 v8, v17;
	v8 =	vld [tilespmem:s31+$0x50]  }
0x61: {  	v11 =	vadd.f32 v13, v10;
	v10 =	vadd.f32 v14, v15;
	v7 =	vld [tilespmem:s31+$0x80]  }
0x62: {  	s17 =	simm.s32 $0x0;
	s18 =	simm.s32 $0x2A60;
	v13 =	vadd.f32 v9, v16;
	v12 =	vadd.f32 v12, v17;
	v9 =	vld [tilespmem:s31+$0x90]  }
.LBB2_5:
0x63: {  	v14 =	vld [tilespmem:s18+$0x60];
	v4 =	vadd.f32 v4, v11;
	v6 =	vadd.f32 v6, v10  }
0x64: {  	v10 =	vld [tilespmem:s18+$0x70];
	v11 =	vadd.f32 v2, v13;
	v12 =	vadd.f32 v3, v12  }
0x65: {  	v2 =	vld [tilespmem:s18+$0x20];
	v4 =	vadd.f32 v5, v4;
	v5 =	vadd.f32 v8, v6  }
0x66: {  	v3 =	vld [tilespmem:s18+$0x30];
	v6 =	vadd.f32 v0, v11;
	v8 =	vadd.f32 v1, v12  }
0x67: {  	v12 =	vld [tilespmem:s18+$0xFFFFFFE0];
	v7 =	vadd.f32 v7, v4;
	v5 =	vadd.f32 v9, v5  }
0x68: {  	v9 =	vld [tilespmem:s18+$0xFFFFFFF0];
	v0 =	vmov v14  }
0x69: {  	v11 =	vld [tilespmem:s18+$0xFFFFFFA0];
	v1 =	vmov v10  }
0x6a: {  	v10 =	vld [tilespmem:s18+$0xFFFFFFB0]  }
0x6b: {  	v13 =	vld [tilespmem:s18+$0xFFFFFF60]  }
0x6c: {  	v14 =	vld [tilespmem:s18+$0xFFFFFF70]  }
0x6d: {  	v15 =	vld [tilespmem:s18+$0xFFFFFF80]  }
0x6e: {  	s17 =	sadd.s32 $0x5, s17;
	v16 =	vld [tilespmem:s18+$0xFFFFFF90]  }
0x6f: {  	p0 =	slt.u32 s17, $0x2D;
	v17 =	vld [tilespmem:s18+$0xFFFFFFC0]  }
0x70: {  	v18 =	vld [tilespmem:s18+$0xFFFFFFD0]  }
0x71: {  	v4 =	vld [tilespmem:s18+$0x0]  }
.Ltmp1:
0x72: {  	v13 =	vadd.f32 v13, v6;
	v8 =	vadd.f32 v14, v8;
	v6 =	vld [tilespmem:s18+$0x10];
	(pc) =	sbr.rel @p0 .LBB2_5-.Ltmp1, $4  }
0x73: {  	v7 =	vadd.f32 v15, v7;
	v14 =	vadd.f32 v16, v5;
	v5 =	vld [tilespmem:s18+$0x40]  }
0x74: {  	v13 =	vadd.f32 v11, v13;
	v15 =	vadd.f32 v10, v8;
	v8 =	vld [tilespmem:s18+$0x50]  }
0x75: {  	v11 =	vadd.f32 v17, v7;
	v10 =	vadd.f32 v18, v14;
	v7 =	vld [tilespmem:s18+$0x80]  }
0x76: {  	v13 =	vadd.f32 v12, v13;
	v12 =	vadd.f32 v9, v15;
	v9 =	vld [tilespmem:s18+$0x90];
	s18 =	sadd.s32 $0x140, s18  }
0x77: {  	_ = 	snop  }
0x78: {  	v4 =	vadd.f32 v4, v11;
	v2 =	vadd.f32 v2, v13  }
0x79: {  	v6 =	vadd.f32 v6, v10;
	v3 =	vadd.f32 v3, v12  }
0x7a: {  	v4 =	vadd.f32 v5, v4;
	v0 =	vadd.f32 v0, v2  }
0x7b: {  	s15 =	sadd.s32 $0x1, s15;
	v60 =	vadd.f32 v8, v6;
	v1 =	vadd.f32 v1, v3  }
0x7c: {  	s16 =	sshll.u32 s16, $0x6;
	p0 =	sne.s32 s15, $0x40;
	v61 =	vadd.f32 v7, v4;
	v0 =	vmul.f32 $1.999999960e-02, v0  }
.Ltmp2:
0x7d: {  	s16 =	sand.u32 $0x3FFFFFC0, s16;
	v2 =	vadd.f32 v9, v60;
	v1 =	vmul.f32 $1.999999960e-02, v1;
	(pc) =	sbr.rel @p0 .LBB2_2-.Ltmp2, $4  }
0x7e: {  	v62 =	vmul.f32 $1.999999960e-02, v61;
	[tilespmem:s16+$0x3500] =	vst v0  }
0x7f: {  	v63 =	vmul.f32 $1.999999960e-02, v2;
	[tilespmem:s16+$0x3510] =	vst v1  }
0x80: {  	[tilespmem:s16+$0x3520] =	vst v62  }
0x81: {  	[tilespmem:s16+$0x3530] =	vst v63  }
0x82: {  	s14 =	sadd.s32 $0x1, s14  }
0x83: {  	p0 =	sne.s32 s14, s6  }
.Ltmp3:
0x84: {  	_ = 	snop;
	(pc) =	sbr.rel @p0 .LBB2_1-.Ltmp3, $4  }
0x85: {  	[hbm4b:s5+s2] =	stream.linear.scatter [tilespmem:s13], [sflag:$0x3], $0x2000, $0x38;
	[tilespmem:$0x5500] =	vst v63  }
0x86: {  	_ =	swait.ge [sflag:s7], $0x2000  }
0x87: {  	[sflag:s7] =	ssyncset.done $0x0  }
0x88: {  	[sflag:s7] =	ssyncadd.s32 $0xFFFFE000  }
0x89: {  	_ =	sfence.sel $0x180000  }
0x8a: {  	[bflag:$0x0] =	sbarrier.arrive $0xFFFF  }
0x8b: {  	p0 =	sne.s32 s0, $0x0;
	_ =	strace $0x90000047  }
0x8c: {  	s0 =	sadd.s32 @!p0 $0x100000, s1;
	[bflag:$0x2] =	sbarrier.arrive $0xFFFF  }
0x8d: {  	[sflag:s0] =	ssyncadd.tile.s32 @!p0 $0x1;
	_ =	shalt  }
.Lfunc_end2:
_tile_overlayer_lowered:
.L_overlay_start_2:
0x8e: {  	(tag) =	ssettag $0x2  }
0x8f: {  	s0 =	rddreg [dreg:$0x0];
	s2 =	stileid.u32  }
0x90: {  	s1 =	rddreg [dreg:$0x1];
	p0 =	sne.s32 s2, $0x0  }
0x91: {  	s3 =	rddreg [dreg:$0x2];
	[bflag:$0x3] =	sbarrier.arrive $0xFFFF;
	s2 =	simm.s32 @!p0 $0x1C03  }
0x92: {  	[timem:s3], [sflag:s2] =	dma.local @!p0 [hbm:s0], s1  }
0x93: {  	s0 =	simm.s32 @!p0 $0x3  }
0x94: {  	_ =	swait.ge @!p0 [sflag:s0], s1  }
0x95: {  	s1 =	ssub.s32 @!p0 $0x0, s1;
	[sflag:s0] =	ssyncset.done @!p0 $0x0  }
0x96: {  	[sflag:s0] =	ssyncadd.s32 @!p0 s1  }
0x97: {  	[bflag:$0x3] =	sbarrier.arrive $0xFFFF  }
0x98: {  	_ =	shalt  }

</sc_bundles>
